<compile_context>
chip_gen: v7x
topology: tpu7x:2x2x1
jax: 0.10.2.dev20260603
libtpu: 0.0.44.dev20260713+nightly
codegen_flags: <defaults>
</compile_context>

<pallas_src>
import functools

import jax
import jax.numpy as jnp
from jax import lax
from jax.experimental import pallas as pl
from jax.experimental.pallas import tpu as pltpu
from jax.experimental.pallas import tpu_sc as plsc

_G = 3
_NC, _NS = 2, 16
_NW = _NC * _NS
_C = 10240


def _make_sc_mean(n_total, off, n_words):
    pw = n_words // _NW
    nch = pw // _C
    mesh = plsc.VectorSubcoreMesh(core_axis_name="c", subcore_axis_name="s")

    @functools.partial(
        pl.kernel,
        mesh=mesh,
        out_type=jax.ShapeDtypeStruct((n_words,), jnp.float32),
        scratch_types=(
            [pltpu.VMEM((_C,), jnp.float32) for _ in range(2 * _G + 2)]
            + [pltpu.SemaphoreType.DMA] * 4
        ),
    )
    def sc_mean(x_hbm, o_hbm, a0, b0, c0_, a1, b1, c1_, ov0, ov1, s0, s1, t0, t1):
        wid = lax.axis_index("s") * _NC + lax.axis_index("c")
        base0 = wid * pw
        in_slots = ((a0, b0, c0_), (a1, b1, c1_))
        out_slots = (ov0, ov1)
        out_sems = (t0, t1)

        def issue_in(slot, sem, base):
            for g in range(_G):
                pltpu.async_copy(
                    x_hbm.at[pl.ds(g * n_total + off + base, _C)],
                    in_slots[slot][g],
                    sem,
                )

        def drain_in(slot, sem):
            for g in range(_G):
                pltpu.make_async_copy(
                    x_hbm.at[pl.ds(0, _C)], in_slots[slot][g], sem
                ).wait()

        def compute(slot):
            bufs = in_slots[slot]
            ov = out_slots[slot]

            @plsc.parallel_loop(0, _C, step=16, unroll=8)
            def _body(i):
                sl = pl.ds(i, 16)
                ov[sl] = (bufs[0][sl] + bufs[1][sl] + bufs[2][sl]) * (1.0 / _G)

        def issue_out(slot, base):
            pltpu.async_copy(out_slots[slot], o_hbm.at[pl.ds(base, _C)], out_sems[slot])

        def drain_out(slot):
            pltpu.make_async_copy(
                out_slots[slot], o_hbm.at[pl.ds(0, _C)], out_sems[slot]
            ).wait()

        issue_in(0, s0, base0)

        def pair(ii, _):
            c0 = base0 + (2 * ii) * _C
            issue_in(1, s1, c0 + _C)
            drain_in(0, s0)

            @pl.when(ii > 0)
            def _w0():
                drain_out(0)

            compute(0)
            issue_out(0, c0)

            @pl.when(2 * ii + 2 < nch)
            def _prefetch():
                issue_in(0, s0, c0 + 2 * _C)

            drain_in(1, s1)

            @pl.when(ii > 0)
            def _w1():
                drain_out(1)

            compute(1)
            issue_out(1, c0 + _C)
            return 0

        lax.fori_loop(0, nch // 2, pair, 0)
        drain_out(0)
        drain_out(1)

    return sc_mean


def _tc_mean(x, rows_out, block_rows):
    g, rows, d = x.shape

    def body(x_ref, o_ref):
        o_ref[...] = (x_ref[0] + x_ref[1] + x_ref[2]) * (1.0 / _G)

    return pl.pallas_call(
        body,
        grid=(rows_out // block_rows,),
        in_specs=[pl.BlockSpec((g, block_rows, d), lambda i: (0, i, 0))],
        out_specs=pl.BlockSpec((block_rows, d), lambda i: (i, 0)),
        out_shape=jax.ShapeDtypeStruct((rows_out, d), jnp.float32),
    )(x)


def kernel(time_emb, expert_embeddings, time_step, total_steps):
    del time_emb, time_step, total_steps
    G, B, L, D = expert_embeddings.shape
    rows = B * L
    rows_tc = 7168
    n_total = rows * D
    off = rows_tc * D
    x = expert_embeddings.reshape(G, rows, D)
    x_flat = expert_embeddings.reshape(G * n_total)
    tc_out = _tc_mean(x, rows_tc, 512)
    sc_out = _make_sc_mean(n_total, off, n_total - off)(x_flat)
    out = jnp.concatenate([tc_out, sc_out.reshape(rows - rows_tc, D)], axis=0)
    return out.reshape(B, L, D)

# --- scband reference (transcript-rebuilt; emitter-appended) ---
"""Pipeline reference for scband-diffuse-router-86835648790917 (READ-ONLY COPY).

The authoritative reference and input builder live on the scoring server;
editing this copy changes nothing except your own understanding.
"""

import jax, jax.numpy as jnp
import numpy as np

NUM_GRANULARITY_LEVELS = 3

def setup_inputs(seed: int = 0) -> dict:
    key = jax.random.key(seed)
    k1, k2 = jax.random.split(key)
    time_emb = jax.random.normal(k1, (2, 320), dtype=jnp.float32)
    expert_embeddings = jax.random.normal(k2, (3, 2, 4096, 1280), dtype=jnp.float32)
    return {"time_emb": time_emb, "expert_embeddings": expert_embeddings, "time_step": 500, "total_steps": 1000}

def reference(time_emb, expert_embeddings, time_step, total_steps):
    # enable_time=False, soft_time_routing=True path:
    # uniform granularity probs over levels, weighted sum of per-granularity embeddings.
    batch_size = time_emb.shape[0]
    G = NUM_GRANULARITY_LEVELS
    granularity_probs = jnp.ones((batch_size, G), dtype=jnp.float32) / G
    B = expert_embeddings.shape[-3]
    L, D = expert_embeddings.shape[-2], expert_embeddings.shape[-1]
    final_embeddings = jnp.zeros((B, L, D), dtype=jnp.float32)
    for gran_idx in range(G):
        routed = expert_embeddings[gran_idx]  # [B, L, D], 3D passthrough branch
        final_embeddings = final_embeddings + routed * granularity_probs[:, gran_idx].reshape(B, 1, 1)
    return final_embeddings

if __name__ == "__main__":
    import jax
    _d = setup_inputs()
    print(jax.jit(kernel)(*tuple(_d.values())))

</pallas_src>

<mosaic_0001>
#map = affine_map<(d0, d1) -> (0)>
module attributes {stable_mosaic.version = 14 : i64} {
  func.func @sc_mean(%arg0: i32, %arg1: i32, %arg2: memref<31457280xf32, #tpu.memory_space<hbm>>, %arg3: memref<1310720xf32, #tpu.memory_space<hbm>>, %arg4: memref<10240xf32, #tpu.memory_space<vmem>>, %arg5: memref<10240xf32, #tpu.memory_space<vmem>>, %arg6: memref<10240xf32, #tpu.memory_space<vmem>>, %arg7: memref<10240xf32, #tpu.memory_space<vmem>>, %arg8: memref<10240xf32, #tpu.memory_space<vmem>>, %arg9: memref<10240xf32, #tpu.memory_space<vmem>>, %arg10: memref<10240xf32, #tpu.memory_space<vmem>>, %arg11: memref<10240xf32, #tpu.memory_space<vmem>>, %arg12: memref<!tpu.dma_semaphore, #tpu.memory_space<semaphore_mem>>, %arg13: memref<!tpu.dma_semaphore, #tpu.memory_space<semaphore_mem>>, %arg14: memref<!tpu.dma_semaphore, #tpu.memory_space<semaphore_mem>>, %arg15: memref<!tpu.dma_semaphore, #tpu.memory_space<semaphore_mem>>) attributes {dimension_semantics = [#tpu.dimension_semantics<core_parallel>, #tpu.dimension_semantics<subcore_parallel>], iteration_bounds = array<i64: 2, 16>, scalar_prefetch = 0 : i64, scratch_operands = 12 : i64, tpu.core_type = #tpu.core_type<sc_vector_subcore>, window_params = [{transform_indices = #map}, {transform_indices = #map}]} {
    %mul3A = arith.constant 2 : i32
    %mul3A_0 = arith.muli %arg1, %mul3A : i32
    %add3A = arith.addi %mul3A_0, %arg0 : i32
    %mul3A_1 = arith.constant 40960 : i32
    %mul3A_2 = arith.muli %add3A, %mul3A_1 : i32
    %add3A_3 = arith.constant 9175040 : i32
    %add3A_4 = arith.addi %add3A_3, %mul3A_2 : i32
    %dma_start3A = tpu.memref_slice %arg2[%add3A_4] : memref<31457280xf32, #tpu.memory_space<hbm>> -> memref<10240xf32, #tpu.memory_space<hbm>>
    %dma_start3A_5 = tpu.memref_slice %arg2[%add3A_4] : memref<31457280xf32, #tpu.memory_space<hbm>> -> memref<10240xf32, #tpu.memory_space<hbm>>
    tpu.enqueue_dma source(%dma_start3A_5 : memref<10240xf32, #tpu.memory_space<hbm>>) target(%arg4 : memref<10240xf32, #tpu.memory_space<vmem>>) target_semaphore(%arg12 : memref<!tpu.dma_semaphore, #tpu.memory_space<semaphore_mem>>)
    %add3A_6 = arith.constant 19660800 : i32
    %add3A_7 = arith.addi %add3A_6, %mul3A_2 : i32
    %dma_start3A_8 = tpu.memref_slice %arg2[%add3A_7] : memref<31457280xf32, #tpu.memory_space<hbm>> -> memref<10240xf32, #tpu.memory_space<hbm>>
    %dma_start3A_9 = tpu.memref_slice %arg2[%add3A_7] : memref<31457280xf32, #tpu.memory_space<hbm>> -> memref<10240xf32, #tpu.memory_space<hbm>>
    tpu.enqueue_dma source(%dma_start3A_9 : memref<10240xf32, #tpu.memory_space<hbm>>) target(%arg5 : memref<10240xf32, #tpu.memory_space<vmem>>) target_semaphore(%arg12 : memref<!tpu.dma_semaphore, #tpu.memory_space<semaphore_mem>>)
    %add3A_10 = arith.constant 30146560 : i32
    %add3A_11 = arith.addi %add3A_10, %mul3A_2 : i32
    %dma_start3A_12 = tpu.memref_slice %arg2[%add3A_11] : memref<31457280xf32, #tpu.memory_space<hbm>> -> memref<10240xf32, #tpu.memory_space<hbm>>
    %dma_start3A_13 = tpu.memref_slice %arg2[%add3A_11] : memref<31457280xf32, #tpu.memory_space<hbm>> -> memref<10240xf32, #tpu.memory_space<hbm>>
    tpu.enqueue_dma source(%dma_start3A_13 : memref<10240xf32, #tpu.memory_space<hbm>>) target(%arg6 : memref<10240xf32, #tpu.memory_space<vmem>>) target_semaphore(%arg12 : memref<!tpu.dma_semaphore, #tpu.memory_space<semaphore_mem>>)
    %scan3A = arith.constant 0 : i32
    %scan3A_14 = arith.constant 0 : i32
    %scan3A_15 = arith.constant 2 : i32
    %scan3A_16 = arith.addi %scan3A_14, %scan3A_15 : i32
    %scan3A_17 = arith.constant 1 : i32
    %scan3A_18 = scf.for %scan3A_27 = %scan3A_14 to %scan3A_16 step %scan3A_17 iter_args(%scan3A_28 = %scan3A) -> (i32)  : i32 {
      %mul3A_29 = arith.constant 2 : i32
      %mul3A_30 = arith.muli %mul3A_29, %scan3A_27 : i32
      %mul3A_31 = arith.constant 10240 : i32
      %mul3A_32 = arith.muli %mul3A_30, %mul3A_31 : i32
      %add3A_33 = arith.addi %mul3A_2, %mul3A_32 : i32
      %add3A_34 = arith.constant 10240 : i32
      %add3A_35 = arith.addi %add3A_33, %add3A_34 : i32
      %add3A_36 = arith.constant 9175040 : i32
      %add3A_37 = arith.addi %add3A_36, %add3A_35 : i32
      %dma_start3A_38 = tpu.memref_slice %arg2[%add3A_37] : memref<31457280xf32, #tpu.memory_space<hbm>> -> memref<10240xf32, #tpu.memory_space<hbm>>
      %dma_start3A_39 = tpu.memref_slice %arg2[%add3A_37] : memref<31457280xf32, #tpu.memory_space<hbm>> -> memref<10240xf32, #tpu.memory_space<hbm>>
      tpu.enqueue_dma source(%dma_start3A_39 : memref<10240xf32, #tpu.memory_space<hbm>>) target(%arg7 : memref<10240xf32, #tpu.memory_space<vmem>>) target_semaphore(%arg13 : memref<!tpu.dma_semaphore, #tpu.memory_space<semaphore_mem>>)
      %add3A_40 = arith.constant 19660800 : i32
      %add3A_41 = arith.addi %add3A_40, %add3A_35 : i32
      %dma_start3A_42 = tpu.memref_slice %arg2[%add3A_41] : memref<31457280xf32, #tpu.memory_space<hbm>> -> memref<10240xf32, #tpu.memory_space<hbm>>
      %dma_start3A_43 = tpu.memref_slice %arg2[%add3A_41] : memref<31457280xf32, #tpu.memory_space<hbm>> -> memref<10240xf32, #tpu.memory_space<hbm>>
      tpu.enqueue_dma source(%dma_start3A_43 : memref<10240xf32, #tpu.memory_space<hbm>>) target(%arg8 : memref<10240xf32, #tpu.memory_space<vmem>>) target_semaphore(%arg13 : memref<!tpu.dma_semaphore, #tpu.memory_space<semaphore_mem>>)
      %add3A_44 = arith.constant 30146560 : i32
      %add3A_45 = arith.addi %add3A_44, %add3A_35 : i32
      %dma_start3A_46 = tpu.memref_slice %arg2[%add3A_45] : memref<31457280xf32, #tpu.memory_space<hbm>> -> memref<10240xf32, #tpu.memory_space<hbm>>
      %dma_start3A_47 = tpu.memref_slice %arg2[%add3A_45] : memref<31457280xf32, #tpu.memory_space<hbm>> -> memref<10240xf32, #tpu.memory_space<hbm>>
      tpu.enqueue_dma source(%dma_start3A_47 : memref<10240xf32, #tpu.memory_space<hbm>>) target(%arg9 : memref<10240xf32, #tpu.memory_space<vmem>>) target_semaphore(%arg13 : memref<!tpu.dma_semaphore, #tpu.memory_space<semaphore_mem>>)
      %dma_wait3A_48 = arith.constant 0 : i32
      %dma_wait3A_49 = tpu.memref_slice %arg2[%dma_wait3A_48] : memref<31457280xf32, #tpu.memory_space<hbm>> -> memref<10240xf32, #tpu.memory_space<hbm>>
      %dma_wait3A_50 = arith.constant 0 : i32
      %dma_wait3A_51 = tpu.memref_slice %arg2[%dma_wait3A_50] : memref<31457280xf32, #tpu.memory_space<hbm>> -> memref<10240xf32, #tpu.memory_space<hbm>>
      tpu.wait_dma2 semaphore(%arg12 : memref<!tpu.dma_semaphore, #tpu.memory_space<semaphore_mem>>) src(%dma_wait3A_51 : memref<10240xf32, #tpu.memory_space<hbm>>) dst(%arg4 : memref<10240xf32, #tpu.memory_space<vmem>>)
      %dma_wait3A_52 = arith.constant 0 : i32
      %dma_wait3A_53 = tpu.memref_slice %arg2[%dma_wait3A_52] : memref<31457280xf32, #tpu.memory_space<hbm>> -> memref<10240xf32, #tpu.memory_space<hbm>>
      %dma_wait3A_54 = arith.constant 0 : i32
      %dma_wait3A_55 = tpu.memref_slice %arg2[%dma_wait3A_54] : memref<31457280xf32, #tpu.memory_space<hbm>> -> memref<10240xf32, #tpu.memory_space<hbm>>
      tpu.wait_dma2 semaphore(%arg12 : memref<!tpu.dma_semaphore, #tpu.memory_space<semaphore_mem>>) src(%dma_wait3A_55 : memref<10240xf32, #tpu.memory_space<hbm>>) dst(%arg5 : memref<10240xf32, #tpu.memory_space<vmem>>)
      %dma_wait3A_56 = arith.constant 0 : i32
      %dma_wait3A_57 = tpu.memref_slice %arg2[%dma_wait3A_56] : memref<31457280xf32, #tpu.memory_space<hbm>> -> memref<10240xf32, #tpu.memory_space<hbm>>
      %dma_wait3A_58 = arith.constant 0 : i32
      %dma_wait3A_59 = tpu.memref_slice %arg2[%dma_wait3A_58] : memref<31457280xf32, #tpu.memory_space<hbm>> -> memref<10240xf32, #tpu.memory_space<hbm>>
      tpu.wait_dma2 semaphore(%arg12 : memref<!tpu.dma_semaphore, #tpu.memory_space<semaphore_mem>>) src(%dma_wait3A_59 : memref<10240xf32, #tpu.memory_space<hbm>>) dst(%arg6 : memref<10240xf32, #tpu.memory_space<vmem>>)
      %gt3A = arith.constant 0 : i32
      %gt3A_60 = arith.cmpi sgt, %scan3A_27, %gt3A : i32
      %convert_element_type3A = arith.extui %gt3A_60 : i1 to i32
      %cond3A = arith.constant 0 : i32
      %cond3A_61 = arith.cmpi ne, %convert_element_type3A, %cond3A : i32
      scf.if %cond3A_61 {
        %dma_wait3A_99 = arith.constant 0 : i32
        %dma_wait3A_100 = tpu.memref_slice %arg3[%dma_wait3A_99] : memref<1310720xf32, #tpu.memory_space<hbm>> -> memref<10240xf32, #tpu.memory_space<hbm>>
        %dma_wait3A_101 = arith.constant 0 : i32
        %dma_wait3A_102 = tpu.memref_slice %arg3[%dma_wait3A_101] : memref<1310720xf32, #tpu.memory_space<hbm>> -> memref<10240xf32, #tpu.memory_space<hbm>>
        tpu.wait_dma2 semaphore(%arg14 : memref<!tpu.dma_semaphore, #tpu.memory_space<semaphore_mem>>) src(%arg10 : memref<10240xf32, #tpu.memory_space<vmem>>) dst(%dma_wait3A_102 : memref<10240xf32, #tpu.memory_space<hbm>>)
      } else {
      }
      %parallel_loop3A = arith.constant 0 : i32
      %parallel_loop3A_62 = arith.constant 10240 : i32
      %parallel_loop3A_63 = arith.constant 16 : i32
      scf.for %parallel_loop3A_99 = %parallel_loop3A to %parallel_loop3A_62 step %parallel_loop3A_63  : i32 {
        %parallel_loop3A_100 = arith.index_cast %parallel_loop3A_99 : i32 to index
        %parallel_loop3A_101 = tpu.vector_load %arg4[%parallel_loop3A_100] {strides = array<i32>} : memref<10240xf32, #tpu.memory_space<vmem>>, vector<16xf32>,
        %parallel_loop3A_102 = vector.shape_cast %parallel_loop3A_101 : vector<16xf32> to vector<16xf32>
        %parallel_loop3A_103 = arith.index_cast %parallel_loop3A_99 : i32 to index
        %parallel_loop3A_104 = tpu.vector_load %arg5[%parallel_loop3A_103] {strides = array<i32>} : memref<10240xf32, #tpu.memory_space<vmem>>, vector<16xf32>,
        %parallel_loop3A_105 = vector.shape_cast %parallel_loop3A_104 : vector<16xf32> to vector<16xf32>
        %parallel_loop3A_106 = arith.addf %parallel_loop3A_102, %parallel_loop3A_105 : vector<16xf32>
        %parallel_loop3A_107 = arith.index_cast %parallel_loop3A_99 : i32 to index
        %parallel_loop3A_108 = tpu.vector_load %arg6[%parallel_loop3A_107] {strides = array<i32>} : memref<10240xf32, #tpu.memory_space<vmem>>, vector<16xf32>,
        %parallel_loop3A_109 = vector.shape_cast %parallel_loop3A_108 : vector<16xf32> to vector<16xf32>
        %parallel_loop3A_110 = arith.addf %parallel_loop3A_106, %parallel_loop3A_109 : vector<16xf32>
        %parallel_loop3A_111 = arith.constant 0.333333343 : f32
        %parallel_loop3A_112 = vector.broadcast %parallel_loop3A_111 : f32 to vector<16xf32>
        %parallel_loop3A_113 = arith.mulf %parallel_loop3A_110, %parallel_loop3A_112 : vector<16xf32>
        %parallel_loop3A_114 = arith.index_cast %parallel_loop3A_99 : i32 to index
        %parallel_loop3A_115 = tpu.vector_load %arg10[%parallel_loop3A_114] {strides = array<i32>} : memref<10240xf32, #tpu.memory_space<vmem>>, vector<16xf32>,
        %parallel_loop3A_116 = vector.shape_cast %parallel_loop3A_115 : vector<16xf32> to vector<16xf32>
        %parallel_loop3A_117 = vector.shape_cast %parallel_loop3A_113 : vector<16xf32> to vector<16xf32>
        tpu.vector_store %arg10[%parallel_loop3A_114], %parallel_loop3A_117 {strides = array<i32>} : memref<10240xf32, #tpu.memory_space<vmem>>, vector<16xf32>,
      } {sc.loop_unroll_factor = 8 : i64, sc.parallel_access}
      %dma_start3A_64 = tpu.memref_slice %arg3[%add3A_33] : memref<1310720xf32, #tpu.memory_space<hbm>> -> memref<10240xf32, #tpu.memory_space<hbm>>
      %dma_start3A_65 = tpu.memref_slice %arg3[%add3A_33] : memref<1310720xf32, #tpu.memory_space<hbm>> -> memref<10240xf32, #tpu.memory_space<hbm>>
      tpu.enqueue_dma source(%arg10 : memref<10240xf32, #tpu.memory_space<vmem>>) target(%dma_start3A_65 : memref<10240xf32, #tpu.memory_space<hbm>>) target_semaphore(%arg14 : memref<!tpu.dma_semaphore, #tpu.memory_space<semaphore_mem>>)
      %mul3A_66 = arith.constant 2 : i32
      %mul3A_67 = arith.muli %mul3A_66, %scan3A_27 : i32
      %add3A_68 = arith.constant 2 : i32
      %add3A_69 = arith.addi %mul3A_67, %add3A_68 : i32
      %lt3A = arith.constant 4 : i32
      %lt3A_70 = arith.cmpi slt, %add3A_69, %lt3A : i32
      %convert_element_type3A_71 = arith.extui %lt3A_70 : i1 to i32
      %cond3A_72 = arith.constant 0 : i32
      %cond3A_73 = arith.cmpi ne, %convert_element_type3A_71, %cond3A_72 : i32
      scf.if %cond3A_73 {
        %add3A_99 = arith.constant 20480 : i32
        %add3A_100 = arith.addi %add3A_33, %add3A_99 : i32
        %add3A_101 = arith.constant 9175040 : i32
        %add3A_102 = arith.addi %add3A_101, %add3A_100 : i32
        %dma_start3A_103 = tpu.memref_slice %arg2[%add3A_102] : memref<31457280xf32, #tpu.memory_space<hbm>> -> memref<10240xf32, #tpu.memory_space<hbm>>
        %dma_start3A_104 = tpu.memref_slice %arg2[%add3A_102] : memref<31457280xf32, #tpu.memory_space<hbm>> -> memref<10240xf32, #tpu.memory_space<hbm>>
        tpu.enqueue_dma source(%dma_start3A_104 : memref<10240xf32, #tpu.memory_space<hbm>>) target(%arg4 : memref<10240xf32, #tpu.memory_space<vmem>>) target_semaphore(%arg12 : memref<!tpu.dma_semaphore, #tpu.memory_space<semaphore_mem>>)
        %add3A_105 = arith.constant 19660800 : i32
        %add3A_106 = arith.addi %add3A_105, %add3A_100 : i32
        %dma_start3A_107 = tpu.memref_slice %arg2[%add3A_106] : memref<31457280xf32, #tpu.memory_space<hbm>> -> memref<10240xf32, #tpu.memory_space<hbm>>
        %dma_start3A_108 = tpu.memref_slice %arg2[%add3A_106] : memref<31457280xf32, #tpu.memory_space<hbm>> -> memref<10240xf32, #tpu.memory_space<hbm>>
        tpu.enqueue_dma source(%dma_start3A_108 : memref<10240xf32, #tpu.memory_space<hbm>>) target(%arg5 : memref<10240xf32, #tpu.memory_space<vmem>>) target_semaphore(%arg12 : memref<!tpu.dma_semaphore, #tpu.memory_space<semaphore_mem>>)
        %add3A_109 = arith.constant 30146560 : i32
        %add3A_110 = arith.addi %add3A_109, %add3A_100 : i32
        %dma_start3A_111 = tpu.memref_slice %arg2[%add3A_110] : memref<31457280xf32, #tpu.memory_space<hbm>> -> memref<10240xf32, #tpu.memory_space<hbm>>
        %dma_start3A_112 = tpu.memref_slice %arg2[%add3A_110] : memref<31457280xf32, #tpu.memory_space<hbm>> -> memref<10240xf32, #tpu.memory_space<hbm>>
        tpu.enqueue_dma source(%dma_start3A_112 : memref<10240xf32, #tpu.memory_space<hbm>>) target(%arg6 : memref<10240xf32, #tpu.memory_space<vmem>>) target_semaphore(%arg12 : memref<!tpu.dma_semaphore, #tpu.memory_space<semaphore_mem>>)
      } else {
      }
      %dma_wait3A_74 = arith.constant 0 : i32
      %dma_wait3A_75 = tpu.memref_slice %arg2[%dma_wait3A_74] : memref<31457280xf32, #tpu.memory_space<hbm>> -> memref<10240xf32, #tpu.memory_space<hbm>>
      %dma_wait3A_76 = arith.constant 0 : i32
      %dma_wait3A_77 = tpu.memref_slice %arg2[%dma_wait3A_76] : memref<31457280xf32, #tpu.memory_space<hbm>> -> memref<10240xf32, #tpu.memory_space<hbm>>
      tpu.wait_dma2 semaphore(%arg13 : memref<!tpu.dma_semaphore, #tpu.memory_space<semaphore_mem>>) src(%dma_wait3A_77 : memref<10240xf32, #tpu.memory_space<hbm>>) dst(%arg7 : memref<10240xf32, #tpu.memory_space<vmem>>)
      %dma_wait3A_78 = arith.constant 0 : i32
      %dma_wait3A_79 = tpu.memref_slice %arg2[%dma_wait3A_78] : memref<31457280xf32, #tpu.memory_space<hbm>> -> memref<10240xf32, #tpu.memory_space<hbm>>
      %dma_wait3A_80 = arith.constant 0 : i32
      %dma_wait3A_81 = tpu.memref_slice %arg2[%dma_wait3A_80] : memref<31457280xf32, #tpu.memory_space<hbm>> -> memref<10240xf32, #tpu.memory_space<hbm>>
      tpu.wait_dma2 semaphore(%arg13 : memref<!tpu.dma_semaphore, #tpu.memory_space<semaphore_mem>>) src(%dma_wait3A_81 : memref<10240xf32, #tpu.memory_space<hbm>>) dst(%arg8 : memref<10240xf32, #tpu.memory_space<vmem>>)
      %dma_wait3A_82 = arith.constant 0 : i32
      %dma_wait3A_83 = tpu.memref_slice %arg2[%dma_wait3A_82] : memref<31457280xf32, #tpu.memory_space<hbm>> -> memref<10240xf32, #tpu.memory_space<hbm>>
      %dma_wait3A_84 = arith.constant 0 : i32
      %dma_wait3A_85 = tpu.memref_slice %arg2[%dma_wait3A_84] : memref<31457280xf32, #tpu.memory_space<hbm>> -> memref<10240xf32, #tpu.memory_space<hbm>>
      tpu.wait_dma2 semaphore(%arg13 : memref<!tpu.dma_semaphore, #tpu.memory_space<semaphore_mem>>) src(%dma_wait3A_85 : memref<10240xf32, #tpu.memory_space<hbm>>) dst(%arg9 : memref<10240xf32, #tpu.memory_space<vmem>>)
      %gt3A_86 = arith.constant 0 : i32
      %gt3A_87 = arith.cmpi sgt, %scan3A_27, %gt3A_86 : i32
      %convert_element_type3A_88 = arith.extui %gt3A_87 : i1 to i32
      %cond3A_89 = arith.constant 0 : i32
      %cond3A_90 = arith.cmpi ne, %convert_element_type3A_88, %cond3A_89 : i32
      scf.if %cond3A_90 {
        %dma_wait3A_99 = arith.constant 0 : i32
        %dma_wait3A_100 = tpu.memref_slice %arg3[%dma_wait3A_99] : memref<1310720xf32, #tpu.memory_space<hbm>> -> memref<10240xf32, #tpu.memory_space<hbm>>
        %dma_wait3A_101 = arith.constant 0 : i32
        %dma_wait3A_102 = tpu.memref_slice %arg3[%dma_wait3A_101] : memref<1310720xf32, #tpu.memory_space<hbm>> -> memref<10240xf32, #tpu.memory_space<hbm>>
        tpu.wait_dma2 semaphore(%arg15 : memref<!tpu.dma_semaphore, #tpu.memory_space<semaphore_mem>>) src(%arg11 : memref<10240xf32, #tpu.memory_space<vmem>>) dst(%dma_wait3A_102 : memref<10240xf32, #tpu.memory_space<hbm>>)
      } else {
      }
      %parallel_loop3A_91 = arith.constant 0 : i32
      %parallel_loop3A_92 = arith.constant 10240 : i32
      %parallel_loop3A_93 = arith.constant 16 : i32
      scf.for %parallel_loop3A_99 = %parallel_loop3A_91 to %parallel_loop3A_92 step %parallel_loop3A_93  : i32 {
        %parallel_loop3A_100 = arith.index_cast %parallel_loop3A_99 : i32 to index
        %parallel_loop3A_101 = tpu.vector_load %arg7[%parallel_loop3A_100] {strides = array<i32>} : memref<10240xf32, #tpu.memory_space<vmem>>, vector<16xf32>,
        %parallel_loop3A_102 = vector.shape_cast %parallel_loop3A_101 : vector<16xf32> to vector<16xf32>
        %parallel_loop3A_103 = arith.index_cast %parallel_loop3A_99 : i32 to index
        %parallel_loop3A_104 = tpu.vector_load %arg8[%parallel_loop3A_103] {strides = array<i32>} : memref<10240xf32, #tpu.memory_space<vmem>>, vector<16xf32>,
        %parallel_loop3A_105 = vector.shape_cast %parallel_loop3A_104 : vector<16xf32> to vector<16xf32>
        %parallel_loop3A_106 = arith.addf %parallel_loop3A_102, %parallel_loop3A_105 : vector<16xf32>
        %parallel_loop3A_107 = arith.index_cast %parallel_loop3A_99 : i32 to index
        %parallel_loop3A_108 = tpu.vector_load %arg9[%parallel_loop3A_107] {strides = array<i32>} : memref<10240xf32, #tpu.memory_space<vmem>>, vector<16xf32>,
        %parallel_loop3A_109 = vector.shape_cast %parallel_loop3A_108 : vector<16xf32> to vector<16xf32>
        %parallel_loop3A_110 = arith.addf %parallel_loop3A_106, %parallel_loop3A_109 : vector<16xf32>
        %parallel_loop3A_111 = arith.constant 0.333333343 : f32
        %parallel_loop3A_112 = vector.broadcast %parallel_loop3A_111 : f32 to vector<16xf32>
        %parallel_loop3A_113 = arith.mulf %parallel_loop3A_110, %parallel_loop3A_112 : vector<16xf32>
        %parallel_loop3A_114 = arith.index_cast %parallel_loop3A_99 : i32 to index
        %parallel_loop3A_115 = tpu.vector_load %arg11[%parallel_loop3A_114] {strides = array<i32>} : memref<10240xf32, #tpu.memory_space<vmem>>, vector<16xf32>,
        %parallel_loop3A_116 = vector.shape_cast %parallel_loop3A_115 : vector<16xf32> to vector<16xf32>
        %parallel_loop3A_117 = vector.shape_cast %parallel_loop3A_113 : vector<16xf32> to vector<16xf32>
        tpu.vector_store %arg11[%parallel_loop3A_114], %parallel_loop3A_117 {strides = array<i32>} : memref<10240xf32, #tpu.memory_space<vmem>>, vector<16xf32>,
      } {sc.loop_unroll_factor = 8 : i64, sc.parallel_access}
      %add3A_94 = arith.constant 10240 : i32
      %add3A_95 = arith.addi %add3A_33, %add3A_94 : i32
      %dma_start3A_96 = tpu.memref_slice %arg3[%add3A_95] : memref<1310720xf32, #tpu.memory_space<hbm>> -> memref<10240xf32, #tpu.memory_space<hbm>>
      %dma_start3A_97 = tpu.memref_slice %arg3[%add3A_95] : memref<1310720xf32, #tpu.memory_space<hbm>> -> memref<10240xf32, #tpu.memory_space<hbm>>
      tpu.enqueue_dma source(%arg11 : memref<10240xf32, #tpu.memory_space<vmem>>) target(%dma_start3A_97 : memref<10240xf32, #tpu.memory_space<hbm>>) target_semaphore(%arg15 : memref<!tpu.dma_semaphore, #tpu.memory_space<semaphore_mem>>)
      %scan3A_98 = arith.constant 0 : i32
      scf.yield %scan3A_98 : i32
    }
    %scan3A_19 = arith.constant 2 : i32
    %dma_wait3A = arith.constant 0 : i32
    %dma_wait3A_20 = tpu.memref_slice %arg3[%dma_wait3A] : memref<1310720xf32, #tpu.memory_space<hbm>> -> memref<10240xf32, #tpu.memory_space<hbm>>
    %dma_wait3A_21 = arith.constant 0 : i32
    %dma_wait3A_22 = tpu.memref_slice %arg3[%dma_wait3A_21] : memref<1310720xf32, #tpu.memory_space<hbm>> -> memref<10240xf32, #tpu.memory_space<hbm>>
    tpu.wait_dma2 semaphore(%arg14 : memref<!tpu.dma_semaphore, #tpu.memory_space<semaphore_mem>>) src(%arg10 : memref<10240xf32, #tpu.memory_space<vmem>>) dst(%dma_wait3A_22 : memref<10240xf32, #tpu.memory_space<hbm>>)
    %dma_wait3A_23 = arith.constant 0 : i32
    %dma_wait3A_24 = tpu.memref_slice %arg3[%dma_wait3A_23] : memref<1310720xf32, #tpu.memory_space<hbm>> -> memref<10240xf32, #tpu.memory_space<hbm>>
    %dma_wait3A_25 = arith.constant 0 : i32
    %dma_wait3A_26 = tpu.memref_slice %arg3[%dma_wait3A_25] : memref<1310720xf32, #tpu.memory_space<hbm>> -> memref<10240xf32, #tpu.memory_space<hbm>>
    tpu.wait_dma2 semaphore(%arg15 : memref<!tpu.dma_semaphore, #tpu.memory_space<semaphore_mem>>) src(%arg11 : memref<10240xf32, #tpu.memory_space<vmem>>) dst(%dma_wait3A_26 : memref<10240xf32, #tpu.memory_space<hbm>>)
    return
  }
}

module attributes {stable_mosaic.version = 14 : i64} {
  func.func @body(%arg0: i32, %arg1: memref<3x512x1280xf32, #tpu.memory_space<vmem>>, %arg2: memref<512x1280xf32, #tpu.memory_space<vmem>>) attributes {dimension_semantics = [#tpu.dimension_semantics<arbitrary>], iteration_bounds = array<i64: 14>, scalar_prefetch = 0 : i64, scratch_operands = 0 : i64, tpu.core_type = #tpu.core_type<tc>, window_params = [{transform_indices = @transform_0, window_bounds = array<i64: 3, 512, 1280>}, {transform_indices = @transform_1, window_bounds = array<i64: 512, 1280>}]} {
    %get3A = arith.constant 0 : index
    %get3A_0 = arith.constant 0 : index
    %get3A_1 = arith.constant 0 : index
    %get3A_2 = vector.load %arg1[%get3A, %get3A_0, %get3A_1] : memref<3x512x1280xf32, #tpu.memory_space<vmem>>, vector<1x512x1280xf32>
    %get3A_3 = vector.shape_cast %get3A_2 : vector<1x512x1280xf32> to vector<512x1280xf32>
    %get3A_4 = arith.constant 1 : index
    %get3A_5 = arith.constant 0 : index
    %get3A_6 = arith.constant 0 : index
    %get3A_7 = vector.load %arg1[%get3A_4, %get3A_5, %get3A_6] : memref<3x512x1280xf32, #tpu.memory_space<vmem>>, vector<1x512x1280xf32>
    %get3A_8 = vector.shape_cast %get3A_7 : vector<1x512x1280xf32> to vector<512x1280xf32>
    %add3A = arith.addf %get3A_3, %get3A_8 : vector<512x1280xf32>
    %get3A_9 = arith.constant 2 : index
    %get3A_10 = arith.constant 0 : index
    %get3A_11 = arith.constant 0 : index
    %get3A_12 = vector.load %arg1[%get3A_9, %get3A_10, %get3A_11] : memref<3x512x1280xf32, #tpu.memory_space<vmem>>, vector<1x512x1280xf32>
    %get3A_13 = vector.shape_cast %get3A_12 : vector<1x512x1280xf32> to vector<512x1280xf32>
    %add3A_14 = arith.addf %add3A, %get3A_13 : vector<512x1280xf32>
    %mul3A = arith.constant 0.333333343 : f32
    %mul3A_15 = vector.broadcast %mul3A : f32 to vector<512x1280xf32>
    %mul3A_16 = arith.mulf %add3A_14, %mul3A_15 : vector<512x1280xf32>
    %swap3A = arith.constant 0 : index
    %swap3A_17 = arith.constant 0 : index
    %swap3A_18 = vector.load %arg2[%swap3A, %swap3A_17] : memref<512x1280xf32, #tpu.memory_space<vmem>>, vector<512x1280xf32>
    tpu.vector_store %arg2[%swap3A, %swap3A_17], %mul3A_16 {strides = array<i32>} : memref<512x1280xf32, #tpu.memory_space<vmem>>, vector<512x1280xf32>,
    return
  }
  func.func @transform_0(%arg0: i32) -> (i32, i32, i32) {
    %c0_i32 = arith.constant 0 : i32
    %c0_i32_0 = arith.constant 0 : i32
    %c0_i32_1 = arith.constant 0 : i32
    return %c0_i32, %arg0, %c0_i32_0 : i32, i32, i32
  }
  func.func @transform_1(%arg0: i32) -> (i32, i32) {
    %c0_i32 = arith.constant 0 : i32
    %c0_i32_0 = arith.constant 0 : i32
    return %arg0, %c0_i32 : i32, i32
  }
}

</mosaic_0001>

<sc_bundles>
// kernel: kernel.4.cloned.1.call-start
scs
__scs_entry_jumppad:
0x0: {  	(pc) =	sbr.rel $0x88, $3  }
0x1: {  	(tag) =	ssettag $0x0;
	lr =	simm.s32 $0x1  }
0x2: {  	[smem:$0x3FA0] =	sst lr;
	_ =	strace $0xD0000000  }
0x3: {  	_ = 	snop  }
0x4: {  	_ = 	snop  }
0x5: {  	_ = 	snop  }
0x6: {  	_ = 	snop  }
0x7: {  	_ = 	snop  }
__scs_overlays_trampoline_lowered:
0x8: {  	[smem:$0x3FAF] =	sst s0  }
0x9: {  	[smem:$0x3FB0] =	sst s1  }
0xa: {  	[smem:$0x3FB1] =	sst s2  }
0xb: {  	[smem:$0x3FB2] =	sst s3  }
0xc: {  	[smem:$0x3FB3] =	sst s4  }
0xd: {  	[smem:$0x3FB4] =	sst s5  }
0xe: {  	[smem:$0x3FB5] =	sst s6  }
0xf: {  	[smem:$0x3FB6] =	sst s7  }
0x10: {  	[smem:$0x3FB7] =	sst s8  }
0x11: {  	[smem:$0x3FB8] =	sst s9;
	s0 =	simm.s32 @!p0 $0x0  }
0x12: {  	s1 =	sld [smem:$0x3F9E];
	s0 =	simm.s32 @p0 $0x1  }
0x13: {  	[smem:$0x3FB9] =	sst s0;
	s0 =	simm.s32 @!p1 $0x0  }
0x14: {  	s2 =	sld [smem:$0x3F9D];
	s0 =	simm.s32 @p1 $0x1  }
0x15: {  	[smem:$0x3FBA] =	sst s0;
	s0 =	simm.s32 @!p2 $0x0  }
0x16: {  	s3 =	sld [smem:$0x3FDB];
	s0 =	simm.s32 @p2 $0x1  }
0x17: {  	s4 =	simm.s32 $0x1BF5;
	[smem:$0x3FBC] =	sst s0  }
0x18: {  	s0 =	sld [smem:$0x3F9F];
	_ =	swait.ge [sflag:s4], $0x0  }
0x19: {  	s7 =	sld [smem:$0x3FA0]  }
0x1a: {  	s8 =	sadd.s32 $0xFFFFE003, lr  }
0x1b: {  	s9 =	sadd.s32 $0xFFFFFEF7, lr;
	s5 =	simm.s32 $0xFFFFFFFF;
	p2 =	slt.u32 s8, $0xFFFFF086  }
0x1c: {  	p1 =	slt.u32 s9, $0xF7A;
	s5 =	simm.s32 @!p2 $0x0  }
0x1d: {  	s5 =	simm.s32 @p1 $0x1;
	p0 =	seq.s32 s7, s2  }
0x1e: {  	s7 =	smul.u32 @!p0 $0xF7A, s2;
	p2 =	seq.s32 @!p0 s5, $0x0  }
0x1f: {  	s9 =	smul.u32 $0xF7A, s1;
	s8 =	simm.s32 @!p0 $0x1BF5;
	p2 =	por !p2, p0  }
0x20: {  	[sflag:s8] =	ssyncset.s32 @!p0 $0xFFFFF086;
	s6 =	sadd.s32 @!p0 s3, s7;
	s7 =	simm.s32 @!p0 $0x108  }
0x21: {  	s3 =	sadd.s32 s3, s9;
	s6 =	sadd.s32 @!p0 $0x88, s6;
	s7 =	simm.s32 @p2 $0x1082  }
0x22: {  	[simem:s7], [sflag:s8] =	dma.local @!p0 [hbm:s6], $0xF7A  }
0x23: {  	s9 =	sor.u32 $0xD0000000, s2;
	s6 =	simm.s32 $0x108;
	_ =	swait.ge @!p0 [sflag:s8], $0x0  }
0x24: {  	s3 =	sadd.s32 $0x88, s3;
	s6 =	simm.s32 @!p1 $0x1082;
	[sflag:s4] =	ssyncset.s32 $0xFFFFF086  }
0x25: {  	[simem:s6], [sflag:s4] =	dma.local [hbm:s3], $0xF7A  }
0x26: {  	[smem:$0x3FA0] =	sst s1;
	(tag) =	ssettag s2;
	_ =	strace s9  }
0x27: {  	s1 =	sld [smem:$0x3FB0]  }
0x28: {  	s2 =	sld [smem:$0x3FB1]  }
0x29: {  	s4 =	sld [smem:$0x3FB3]  }
0x2a: {  	p0 =	seq.s32 s5, $0x0;
	s5 =	sld [smem:$0x3FB4]  }
0x2b: {  	s6 =	sld [smem:$0x3FB5]  }
0x2c: {  	s7 =	sld [smem:$0x3FB6]  }
0x2d: {  	s3 =	simm.s32 $0x108;
	s8 =	sld [smem:$0x3FB7]  }
0x2e: {  	s3 =	simm.s32 @!p0 $0x1082;
	s9 =	sld [smem:$0x3FB8]  }
0x2f: {  	lr =	sadd.s32 s0, s3;
	s0 =	sld [smem:$0x3FAF]  }
0x30: {  	s3 =	sld [smem:$0x3FB2]  }
0x31: {  	[smem:$0x3FBB] =	sst s10  }
0x32: {  	s10 =	sld [smem:$0x3FB9];
	_ =	sdelay $0x3  }
0x33: {  	p0 =	seq.s32 s10, $0x1;
	s10 =	sld [smem:$0x3FBB];
	_ =	sdelay $0x3  }
0x34: {  	[smem:$0x3FBB] =	sst s10  }
0x35: {  	s10 =	sld [smem:$0x3FBA];
	_ =	sdelay $0x3  }
0x36: {  	p1 =	seq.s32 s10, $0x1;
	s10 =	sld [smem:$0x3FBB];
	_ =	sdelay $0x3  }
0x37: {  	[smem:$0x3FBB] =	sst s10  }
0x38: {  	s10 =	sld [smem:$0x3FBC]  }
0x39: {  	_ = 	snop;
	(pc) =	sbr.ind lr, $3  }
0x3a: {  	_ = 	snop  }
0x3b: {  	_ = 	snop  }
0x3c: {  	p2 =	seq.s32 s10, $0x1;
	s10 =	sld [smem:$0x3FBB]  }
0x3d: {  	_ =	shalt  }
0x3e: {  	_ =	shalt  }
0x3f: {  	_ =	shalt  }
0x40: {  	_ =	shalt  }
0x41: {  	_ =	shalt  }
0x42: {  	_ =	shalt  }
0x43: {  	_ =	shalt  }
0x44: {  	_ =	shalt  }
0x45: {  	_ =	shalt  }
0x46: {  	_ =	shalt  }
0x47: {  	_ =	shalt  }
0x48: {  	_ =	shalt  }
0x49: {  	_ =	shalt  }
0x4a: {  	_ =	shalt  }
0x4b: {  	_ =	shalt  }
0x4c: {  	_ =	shalt  }
0x4d: {  	_ =	shalt  }
0x4e: {  	_ =	shalt  }
0x4f: {  	_ =	shalt  }
0x50: {  	_ =	shalt  }
0x51: {  	_ =	shalt  }
0x52: {  	_ =	shalt  }
0x53: {  	_ =	shalt  }
0x54: {  	_ =	shalt  }
0x55: {  	_ =	shalt  }
0x56: {  	_ =	shalt  }
0x57: {  	_ =	shalt  }
0x58: {  	_ =	shalt  }
0x59: {  	_ =	shalt  }
0x5a: {  	_ =	shalt  }
0x5b: {  	_ =	shalt  }
0x5c: {  	_ =	shalt  }
0x5d: {  	_ =	shalt  }
0x5e: {  	_ =	shalt  }
0x5f: {  	_ =	shalt  }
0x60: {  	_ =	shalt  }
0x61: {  	_ =	shalt  }
0x62: {  	_ =	shalt  }
0x63: {  	_ =	shalt  }
0x64: {  	_ =	shalt  }
0x65: {  	_ =	shalt  }
0x66: {  	_ =	shalt  }
0x67: {  	_ =	shalt  }
0x68: {  	_ =	shalt  }
0x69: {  	_ =	shalt  }
0x6a: {  	_ =	shalt  }
0x6b: {  	_ =	shalt  }
0x6c: {  	_ =	shalt  }
0x6d: {  	_ =	shalt  }
0x6e: {  	_ =	shalt  }
0x6f: {  	_ =	shalt  }
0x70: {  	_ =	shalt  }
0x71: {  	_ =	shalt  }
0x72: {  	_ =	shalt  }
0x73: {  	_ =	shalt  }
0x74: {  	_ =	shalt  }
0x75: {  	_ =	shalt  }
0x76: {  	_ =	shalt  }
0x77: {  	_ =	shalt  }
0x78: {  	_ =	shalt  }
0x79: {  	_ =	shalt  }
0x7a: {  	_ =	shalt  }
0x7b: {  	_ =	shalt  }
0x7c: {  	_ =	shalt  }
0x7d: {  	_ =	shalt  }
0x7e: {  	_ =	shalt  }
0x7f: {  	_ =	shalt  }
0x80: {  	_ =	shalt  }
0x81: {  	_ =	shalt  }
0x82: {  	_ =	shalt  }
0x83: {  	_ =	shalt  }
0x84: {  	_ =	shalt  }
0x85: {  	_ =	shalt  }
0x86: {  	_ =	shalt  }
0x87: {  	_ =	shalt  }
.Lfunc_end0:
.L_simem_size_0:
called_computation_lowered:
.L_overlay_start_0:
0x88: {  	s2 =	sld [smem:$0x3FD9]  }
0x89: {  	s3 =	sld [smem:$0x3FFE];
	_ =	sdelay $0x1  }
0x8a: {  	s1 =	srdreg.scid  }
0x8b: {  	s0 =	sand.u32 $0x1, s1  }
0x8c: {  	s17 =	sshll.u32 s0, $0xA;
	s2 =	sadd.s32 s3, s2  }
0x8d: {  	s2 =	sadd.s32 s2, s17  }
0x8e: {  	[smem:$0x3FC7] =	sst s2  }
0x8f: {  	_ = 	snop  }
0x90: {  	s2 =	sld [smem:$0x3FD0];
	(tm) =	ssettm $0x1  }
0x91: {  	s18 =	sld [smem:$0x3FFB];
	_ =	sdelay $0x3  }
0x92: {  	_ =	strace s18  }
0x93: {  	s3 =	sld [smem:$0x3FFC];
	_ =	sdelay $0x3  }
0x94: {  	_ =	strace s3  }
0x95: {  	s3 =	sld [smem:$0x3FFD];
	_ =	sdelay $0x3  }
0x96: {  	_ =	strace s3  }
0x97: {  	_ =	strace $0x8FFFFFFF  }
0x98: {  	s19 =	sld [smem:$0x3FDB];
	_ =	sdelay $0x1  }
0x99: {  	s4 =	simm.s32 $_scs_section_size  }
0x9a: {  	s5 =	simm.s32 $_size__tile_overlayer_lowered;
	s6 =	simm.s32 $_tile_overlayer_lowered  }
0x9b: {  	s22 =	simm.s32 $0x1BFF;
	s21 =	sshll.u32 s6, $0x1;
	s3 =	sadd.s32 s4, s19  }
0x9c: {  	s7 =	simm.s32 $0x0;
	s20 =	sshll.u32 s5, $0x1;
	s5 =	sadd.s32 s21, s3  }
0x9d: {  	[timem:s7], [sflag:s22] =	dma.local [hbm:s5], s20  }
0x9e: {  	_ =	swait.ge [sflag:s22], s20  }
0x9f: {  	s4 =	ssub.s32 $0x0, s20;
	[sflag:s22] =	ssyncset.done $0x0  }
0xa0: {  	[sflag:s22] =	ssyncadd.s32 s4;
	_ =	sdelay $0x1  }
0xa1: {  	s23 =	simm.s32 $0x1B8B  }
0xa2: {  	_ =	swait.ge [sflag:s23], $0x1  }
0xa3: {  	[sflag:s23] =	ssyncset.done $0x0  }
0xa4: {  	s25 =	simm.s32 $0x1B8E;
	s24 =	sld [smem:$0x3FFE];
	[sflag:s23] =	ssyncadd.s32 $0xFFFFFFFF  }
0xa5: {  	s26 =	simm.s32 $execute0_lowered;
	[smem:$0x3FD2] =	sst s25  }
0xa6: {  	s5 =	sshll.u32 s26, $0x1;
	_ =	strace $0x80000046;
	[dreg:$0x1] =	wrdreg $0xFFFFFFFF  }
0xa7: {  	s28 =	simm.s32 $_size_execute0_lowered;
	s3 =	sadd.s32 s3, s5;
	[dreg:$0x0] =	wrdreg $0x0  }
0xa8: {  	s5 =	sshll.u32 s28, $0x1;
	[dreg:$0x2] =	wrdreg s3  }
0xa9: {  	[dreg:$0x3] =	wrdreg s5  }
0xaa: {  	[dreg:$0x4] =	wrdreg $0xC0  }
0xab: {  	_ =	task [dreg:s7], $0x5FFFF  }
0xac: {  	[dreg:$0x1] =	wrdreg $0xFFFFFFFF  }
0xad: {  	[dreg:$0x0] =	wrdreg $0x60  }
0xae: {  	[dreg:$0x2] =	wrdreg s24  }
0xaf: {  	[dreg:$0x3] =	wrdreg s2  }
0xb0: {  	[dreg:$0x4] =	wrdreg $0x9  }
0xb1: {  	_ =	task.clear_ibuf [dreg:s7], $0x5FFFF;
	_ =	strace $0x90000046  }
0xb2: {  	s29 =	simm.s32 $0x9;
	_ =	strace $0x80000048  }
0xb3: {  	_ =	swait.ge [sflag:s29], $0x1  }
0xb4: {  	[sflag:s29] =	ssyncadd.s32 $0xFFFFFFFF  }
0xb5: {  	_ =	strace $0x90000048  }
0xb6: {  	_ =	sfence  }
0xb7: {  	s30 =	sld [smem:$0x0];
	_ =	sdelay $0x2  }
0xb8: {  	s31 =	sshll.u32 s1, $0xD;
	s1 =	sshrl.u32 s1, $0x2  }
0xb9: {  	s3 =	sand.u32 $0x4000, s31;
	s1 =	sadd.s32 s1, s30  }
0xba: {  	s0 =	sor.u32 s3, s0;
	s1 =	sshll.u32 s1, $0x11  }
0xbb: {  	s0 =	sor.u32 s1, s0  }
0xbc: {  	s0 =	sadd.s32 $0x8F2B, s0  }
0xbd: {  	[sflag:s0] =	ssyncadd.remote.s32 $0x1  }
0xbe: {  	_ =	sfence.sel $0xFFFF  }
0xbf: {  	[dreg:$0x0] =	wrdreg $0xFFFFFFFF;
	(pc) =	sbr.abs _section_cstart, $3  }
0xc0: {  	[dreg:$0x1] =	wrdreg $0xFFFFFFFF  }
0xc1: {  	_ =	task.clear_ibuf [dreg:s7], $0x2FFFF;
	_ =	strace $0x9FFFFFFF  }
0xc2: {  	(tm) =	ssettm $0x7FFFFFFF  }
0xc3: {  	_ =	shalt  }
tec
execute0_lowered:
.L_overlay_start_1:
0x0: {  	(tag) =	ssettag $0x1  }
0x1: {  	s1 =	srdreg.scid;
	s5 =	rddreg [dreg:$0x0]  }
0x2: {  	s0 =	stileid.u32;
	s2 =	rddreg [dreg:$0x1]  }
0x3: {  	s4 =	simm.s32 $0x0;
	s13 =	simm.s32 $0x2800;
	s14 =	simm.s32 $0x5000  }
0x4: {  	s15 =	simm.s32 $0x7800;
	s16 =	simm.s32 $0xA000;
	s17 =	simm.s32 $0xC800  }
0x5: {  	s18 =	simm.s32 $0x1;
	s6 =	sand.u32 $0x1, s1;
	s31 =	sshll.u32 s0, $0x1  }
0x6: {  	s19 =	simm.s32 $0xF000;
	s20 =	simm.s32 $0x2;
	s1 =	sor.u32 s6, s31  }
0x7: {  	s21 =	simm.s32 $0x11800;
	s22 =	simm.s32 $0x3;
	s3 =	smul.u32 $0xA000, s1  }
0x8: {  	s23 =	simm.s32 $0x4;
	s24 =	simm.s32 $0x0;
	s5 =	sadd.s32 $0x400, s5  }
0x9: {  	[smem:$0x7FF] =	sst s4;
	s6 =	ssub.s32 $0x2, s6;
	s7 =	sshrl.u32 s3, $0x3  }
0xa: {  	s1 =	rddreg [dreg:$0x2];
	s8 =	sshrl.u32 s6, $0x1;
	s11 =	sadd.s32 s5, s7  }
0xb: {  	_ =	strace $0x80000047;
	s12 =	ssub.s32 s6, s8;
	s6 =	sadd.s32 $0x118000, s11  }
0xc: {  	s7 =	sadd.s32 $0x258000, s11;
	s8 =	sadd.s32 $0x398000, s11;
	s9 =	sadd.s32 $0x118A00, s11  }
0xd: {  	s12 =	smax.u32 s12, $0x1;
	s10 =	sadd.s32 $0x258A00, s11;
	s11 =	sadd.s32 $0x398A00, s11  }
.LBB2_1:
0xe: {  	[tilespmem:s4], [sflag:$0x1] =	stream.linear.gather [hbm4b:s6+s4], $0x2800, $0x38;
	[tilespmem:$0x14000] =	vst v63  }
0xf: {  	_ = 	snop  }
0x10: {  	[tilespmem:s13], [sflag:$0x1] =	stream.linear.gather [hbm4b:s7+s4], $0x2800, $0x38;
	[tilespmem:$0x14000] =	vst v63  }
0x11: {  	p2 =	por $0x1, $0x1;
	p1 =	por $0x0, $0x0;
	s25 =	simm.s32 $0x0  }
0x12: {  	[tilespmem:s14], [sflag:$0x1] =	stream.linear.gather [hbm4b:s8+s4], $0x2800, $0x38;
	[tilespmem:$0x14000] =	vst v63  }
.LBB2_2:
0x13: {  	s25 =	sadd.s32 s3, s25  }
0x14: {  	s25 =	sshrl.u32 s25, $0x3  }
0x15: {  	s26 =	sadd.s32 s5, s25  }
0x16: {  	s28 =	sadd.s32 $0x118500, s26  }
0x17: {  	[tilespmem:s15], [sflag:$0x2] =	stream.linear.gather [hbm4b:s28+s4], $0x2800, $0x38;
	[tilespmem:$0x14000] =	vst v63  }
0x18: {  	s28 =	sadd.s32 $0x258500, s26  }
0x19: {  	[tilespmem:s16], [sflag:$0x2] =	stream.linear.gather [hbm4b:s28+s4], $0x2800, $0x38;
	[tilespmem:$0x14000] =	vst v63  }
0x1a: {  	s26 =	sadd.s32 $0x398500, s26  }
0x1b: {  	[tilespmem:s17], [sflag:$0x2] =	stream.linear.gather [hbm4b:s26+s4], $0x2800, $0x38;
	[tilespmem:$0x14000] =	vst v63  }
0x1c: {  	_ =	swait.ge [sflag:s18], $0x2800  }
0x1d: {  	[sflag:s18] =	ssyncset.done $0x0  }
0x1e: {  	[sflag:s18] =	ssyncadd.s32 $0xFFFFD800  }
0x1f: {  	_ =	swait.ge [sflag:s18], $0x2800  }
0x20: {  	[sflag:s18] =	ssyncset.done $0x0  }
0x21: {  	[sflag:s18] =	ssyncadd.s32 $0xFFFFD800  }
0x22: {  	_ =	swait.ge [sflag:s18], $0x2800  }
0x23: {  	[sflag:s18] =	ssyncset.done $0x0  }
0x24: {  	s26 =	simm.s32 @p1 $0x3;
	[sflag:s18] =	ssyncadd.s32 $0xFFFFD800  }
0x25: {  	_ =	swait.ge @p1 [sflag:s26], $0x2800  }
0x26: {  	[sflag:s26] =	ssyncset.done @p1 $0x0  }
0x27: {  	s29 =	simm.s32 $0x40;
	[sflag:s26] =	ssyncadd.s32 @p1 $0xFFFFD800  }
0x28: {  	s26 =	simm.s32 $0x2840;
	v0 =	vld [tilespmem:s29+$0x30]  }
0x29: {  	v1 =	vld [tilespmem:s26+$0x30]  }
0x2a: {  	s28 =	simm.s32 $0x5040;
	v3 =	vld [tilespmem:s26+$0xFFFFFFC0]  }
0x2b: {  	v2 =	vld [tilespmem:s28+$0x30]  }
0x2c: {  	v4 =	vld [tilespmem:s29+$0xFFFFFFD0]  }
0x2d: {  	v5 =	vld [tilespmem:s26+$0xFFFFFFD0]  }
0x2e: {  	v6 =	vld [tilespmem:s29+$0xFFFFFFE0]  }
0x2f: {  	v7 =	vld [tilespmem:s26+$0xFFFFFFE0]  }
0x30: {  	v8 =	vld [tilespmem:s29+$0xFFFFFFF0]  }
0x31: {  	v10 =	vld [tilespmem:s26+$0xFFFFFFF0]  }
0x32: {  	v11 =	vld [tilespmem:s29+$0x0]  }
0x33: {  	v12 =	vld [tilespmem:s26+$0x0]  }
0x34: {  	v13 =	vld [tilespmem:s29+$0x10]  }
0x35: {  	v14 =	vld [tilespmem:s26+$0x10]  }
0x36: {  	v15 =	vld [tilespmem:s29+$0x20]  }
0x37: {  	v16 =	vld [tilespmem:s26+$0x20]  }
0x38: {  	v17 =	vld [tilespmem:s29+$0xFFFFFFC0]  }
0x39: {  	v19 =	vld [tilespmem:s28+$0xFFFFFFD0];
	v0 =	vadd.f32 v1, v0  }
0x3a: {  	v18 =	vld [tilespmem:s28+$0xFFFFFFC0]  }
0x3b: {  	v9 =	vld [tilespmem:s28+$0xFFFFFFE0];
	v20 =	vadd.f32 v5, v4;
	v1 =	vadd.f32 v2, v0  }
0x3c: {  	v4 =	vadd.f32 v7, v6;
	v6 =	vld [tilespmem:s28+$0xFFFFFFF0];
	v0 =	vadd.f32 v10, v8  }
0x3d: {  	v2 =	vadd.f32 v12, v11;
	v10 =	vadd.f32 v3, v17;
	v8 =	vld [tilespmem:s28+$0x0];
	v7 =	vmul.f32 $3.333333430e-01, v1  }
0x3e: {  	s29 =	simm.s32 $0xF040;
	v5 =	vld [tilespmem:s28+$0x10];
	v3 =	vadd.f32 v14, v13;
	v11 =	vadd.f32 v19, v20  }
0x3f: {  	p0 =	por p2, p2;
	s30 =	simm.s32 $0x0;
	s31 =	simm.s32 $0xC0;
	v1 =	vadd.f32 v16, v15;
	v10 =	vadd.f32 v18, v10;
	[tilespmem:s29+$0x30] =	vst v7;
	v7 =	vld [tilespmem:s28+$0x20]  }
.LBB2_3:
0x40: {  	v12 =	vld [tilespmem:s31+$0x30];
	v4 =	vadd.f32 v9, v4;
	s26 =	sadd.s32 $0x80, s26  }
0x41: {  	s30 =	sadd.s32 $0x80, s30;
	v9 =	vld [tilespmem:s26+$0x30];
	v10 =	vmul.f32 $3.333333430e-01, v10;
	v11 =	vmul.f32 $3.333333430e-01, v11;
	v0 =	vadd.f32 v6, v0  }
0x42: {  	s28 =	sadd.s32 $0x80, s28;
	p2 =	slt.u32 s30, $0x2780;
	v13 =	vld [tilespmem:s26+$0xFFFFFFC0];
	v4 =	vmul.f32 $3.333333430e-01, v4;
	v2 =	vadd.f32 v8, v2  }
0x43: {  	v6 =	vld [tilespmem:s28+$0x30];
	[tilespmem:s29+$0xFFFFFFC0] =	vst v10;
	v0 =	vmul.f32 $3.333333430e-01, v0;
	v3 =	vadd.f32 v5, v3  }
0x44: {  	v5 =	vld [tilespmem:s31+$0xFFFFFFD0];
	[tilespmem:s29+$0xFFFFFFD0] =	vst v11;
	v2 =	vmul.f32 $3.333333430e-01, v2;
	v1 =	vadd.f32 v7, v1  }
0x45: {  	v7 =	vld [tilespmem:s26+$0xFFFFFFD0];
	[tilespmem:s29+$0xFFFFFFE0] =	vst v4;
	v3 =	vmul.f32 $3.333333430e-01, v3  }
0x46: {  	v4 =	vld [tilespmem:s31+$0xFFFFFFE0];
	v8 =	vadd.f32 v9, v12;
	[tilespmem:s29+$0xFFFFFFF0] =	vst v0;
	v0 =	vmul.f32 $3.333333430e-01, v1  }
0x47: {  	v1 =	vld [tilespmem:s26+$0xFFFFFFE0];
	[tilespmem:s29+$0x0] =	vst v2  }
0x48: {  	v2 =	vld [tilespmem:s31+$0xFFFFFFF0];
	v6 =	vadd.f32 v6, v8;
	[tilespmem:s29+$0x10] =	vst v3  }
0x49: {  	v3 =	vld [tilespmem:s26+$0xFFFFFFF0];
	[tilespmem:s29+$0x20] =	vst v0  }
0x4a: {  	v7 =	vadd.f32 v7, v5;
	v5 =	vld [tilespmem:s31+$0x0];
	v0 =	vmul.f32 $3.333333430e-01, v6  }
0x4b: {  	s29 =	sadd.s32 $0x80, s29;
	v6 =	vld [tilespmem:s26+$0x0]  }
0x4c: {  	v4 =	vadd.f32 v1, v4;
	v1 =	vld [tilespmem:s31+$0x10];
	[tilespmem:s29+$0x30] =	vst v0  }
0x4d: {  	v8 =	vld [tilespmem:s26+$0x10]  }
0x4e: {  	v0 =	vadd.f32 v3, v2;
	v10 =	vld [tilespmem:s31+$0x20]  }
0x4f: {  	v11 =	vld [tilespmem:s26+$0x20]  }
0x50: {  	v12 =	vld [tilespmem:s31+$0xFFFFFFC0];
	v2 =	vadd.f32 v6, v5  }
0x51: {  	v14 =	vld [tilespmem:s28+$0xFFFFFFC0]  }
0x52: {  	v15 =	vld [tilespmem:s28+$0xFFFFFFD0];
	v3 =	vadd.f32 v8, v1  }
.Ltmp0:
0x53: {  	v9 =	vld [tilespmem:s28+$0xFFFFFFE0];
	(pc) =	sbr.rel @p2 .LBB2_3-.Ltmp0, $4  }
0x54: {  	v6 =	vld [tilespmem:s28+$0xFFFFFFF0];
	v1 =	vadd.f32 v11, v10  }
0x55: {  	v10 =	vadd.f32 v13, v12;
	v8 =	vld [tilespmem:s28+$0x0]  }
0x56: {  	v5 =	vld [tilespmem:s28+$0x10]  }
0x57: {  	s31 =	sadd.s32 $0x80, s31;
	v10 =	vadd.f32 v14, v10;
	v11 =	vadd.f32 v15, v7;
	v7 =	vld [tilespmem:s28+$0x20]  }
0x58: {  	_ = 	snop  }
0x59: {  	v4 =	vadd.f32 v9, v4;
	v9 =	vmul.f32 $3.333333430e-01, v10  }
0x5a: {  	v10 =	vmul.f32 $3.333333430e-01, v11;
	v0 =	vadd.f32 v6, v0  }
0x5b: {  	v4 =	vmul.f32 $3.333333430e-01, v4;
	v2 =	vadd.f32 v8, v2;
	[tilespmem:s29+$0xFFFFFFC0] =	vst v9  }
0x5c: {  	v0 =	vmul.f32 $3.333333430e-01, v0;
	v3 =	vadd.f32 v5, v3;
	[tilespmem:s29+$0xFFFFFFD0] =	vst v10  }
0x5d: {  	v2 =	vmul.f32 $3.333333430e-01, v2;
	v1 =	vadd.f32 v7, v1;
	[tilespmem:s29+$0xFFFFFFE0] =	vst v4  }
0x5e: {  	v3 =	vmul.f32 $3.333333430e-01, v3;
	[tilespmem:s29+$0xFFFFFFF0] =	vst v0  }
0x5f: {  	v0 =	vmul.f32 $3.333333430e-01, v1;
	[tilespmem:s29+$0x0] =	vst v2  }
0x60: {  	[tilespmem:s29+$0x10] =	vst v3  }
0x61: {  	s25 =	sadd.s32 s2, s25;
	[tilespmem:s29+$0x20] =	vst v0  }
0x62: {  	[hbm4b:s25+s4] =	stream.linear.scatter [tilespmem:s19], [sflag:$0x3], $0x2800, $0x38;
	[tilespmem:$0x14000] =	vst v63  }
0x63: {  	s26 =	simm.s32 @p0 $0x0  }
0x64: {  	[tilespmem:s26], [sflag:$0x1] =	stream.linear.gather @p0 [hbm4b:s9+s26], $0x2800, $0x38;
	[tilespmem:$0x14000] =	vst v63  }
0x65: {  	s28 =	simm.s32 @p0 $0x2800  }
0x66: {  	[tilespmem:s28], [sflag:$0x1] =	stream.linear.gather @p0 [hbm4b:s10+s26], $0x2800, $0x38;
	[tilespmem:$0x14000] =	vst v63  }
0x67: {  	s28 =	simm.s32 @p0 $0x5000  }
0x68: {  	[tilespmem:s28], [sflag:$0x1] =	stream.linear.gather @p0 [hbm4b:s11+s26], $0x2800, $0x38;
	[tilespmem:$0x14000] =	vst v63  }
0x69: {  	_ =	swait.ge [sflag:s20], $0x2800  }
0x6a: {  	[sflag:s20] =	ssyncset.done $0x0  }
0x6b: {  	[sflag:s20] =	ssyncadd.s32 $0xFFFFD800  }
0x6c: {  	_ =	swait.ge [sflag:s20], $0x2800  }
0x6d: {  	[sflag:s20] =	ssyncset.done $0x0  }
0x6e: {  	[sflag:s20] =	ssyncadd.s32 $0xFFFFD800  }
0x6f: {  	_ =	swait.ge [sflag:s20], $0x2800  }
0x70: {  	[sflag:s20] =	ssyncset.done $0x0  }
0x71: {  	s26 =	simm.s32 @p1 $0x4;
	[sflag:s20] =	ssyncadd.s32 $0xFFFFD800  }
0x72: {  	_ =	swait.ge @p1 [sflag:s26], $0x2800  }
0x73: {  	[sflag:s26] =	ssyncset.done @p1 $0x0  }
0x74: {  	s29 =	simm.s32 $0x7840;
	[sflag:s26] =	ssyncadd.s32 @p1 $0xFFFFD800  }
0x75: {  	s26 =	simm.s32 $0xA040;
	v0 =	vld [tilespmem:s29+$0x30]  }
0x76: {  	v1 =	vld [tilespmem:s26+$0x30]  }
0x77: {  	s28 =	simm.s32 $0xC840;
	v3 =	vld [tilespmem:s26+$0xFFFFFFC0]  }
0x78: {  	v2 =	vld [tilespmem:s28+$0x30]  }
0x79: {  	v4 =	vld [tilespmem:s29+$0xFFFFFFD0]  }
0x7a: {  	v5 =	vld [tilespmem:s26+$0xFFFFFFD0]  }
0x7b: {  	v6 =	vld [tilespmem:s29+$0xFFFFFFE0]  }
0x7c: {  	v7 =	vld [tilespmem:s26+$0xFFFFFFE0]  }
0x7d: {  	v8 =	vld [tilespmem:s29+$0xFFFFFFF0]  }
0x7e: {  	v10 =	vld [tilespmem:s26+$0xFFFFFFF0]  }
0x7f: {  	v11 =	vld [tilespmem:s29+$0x0]  }
0x80: {  	v12 =	vld [tilespmem:s26+$0x0]  }
0x81: {  	v13 =	vld [tilespmem:s29+$0x10]  }
0x82: {  	v14 =	vld [tilespmem:s26+$0x10]  }
0x83: {  	v15 =	vld [tilespmem:s29+$0x20]  }
0x84: {  	v16 =	vld [tilespmem:s26+$0x20]  }
0x85: {  	v17 =	vld [tilespmem:s29+$0xFFFFFFC0]  }
0x86: {  	v19 =	vld [tilespmem:s28+$0xFFFFFFD0];
	v0 =	vadd.f32 v1, v0  }
0x87: {  	v18 =	vld [tilespmem:s28+$0xFFFFFFC0]  }
0x88: {  	v9 =	vld [tilespmem:s28+$0xFFFFFFE0];
	v20 =	vadd.f32 v5, v4;
	v1 =	vadd.f32 v2, v0  }
0x89: {  	v4 =	vadd.f32 v7, v6;
	v7 =	vld [tilespmem:s28+$0xFFFFFFF0];
	v0 =	vadd.f32 v10, v8  }
0x8a: {  	v2 =	vadd.f32 v12, v11;
	v10 =	vadd.f32 v3, v17;
	v8 =	vld [tilespmem:s28+$0x0];
	v6 =	vmul.f32 $3.333333430e-01, v1  }
0x8b: {  	s29 =	simm.s32 $0x11840;
	v5 =	vld [tilespmem:s28+$0x10];
	v3 =	vadd.f32 v14, v13;
	v11 =	vadd.f32 v19, v20  }
0x8c: {  	s30 =	simm.s32 $0x0;
	s31 =	simm.s32 $0x78C0;
	v1 =	vadd.f32 v16, v15;
	v10 =	vadd.f32 v18, v10;
	[tilespmem:s29+$0x30] =	vst v6;
	v6 =	vld [tilespmem:s28+$0x20]  }
.LBB2_5:
0x8d: {  	v12 =	vld [tilespmem:s31+$0x30];
	v4 =	vadd.f32 v9, v4;
	s26 =	sadd.s32 $0x80, s26  }
0x8e: {  	s30 =	sadd.s32 $0x80, s30;
	v9 =	vld [tilespmem:s26+$0x30];
	v10 =	vmul.f32 $3.333333430e-01, v10;
	v11 =	vmul.f32 $3.333333430e-01, v11;
	v0 =	vadd.f32 v7, v0  }
0x8f: {  	s28 =	sadd.s32 $0x80, s28;
	p1 =	slt.u32 s30, $0x2780;
	v13 =	vld [tilespmem:s26+$0xFFFFFFC0];
	v4 =	vmul.f32 $3.333333430e-01, v4;
	v2 =	vadd.f32 v8, v2  }
0x90: {  	v7 =	vld [tilespmem:s28+$0x30];
	[tilespmem:s29+$0xFFFFFFC0] =	vst v10;
	v0 =	vmul.f32 $3.333333430e-01, v0;
	v3 =	vadd.f32 v5, v3  }
0x91: {  	v5 =	vld [tilespmem:s31+$0xFFFFFFD0];
	[tilespmem:s29+$0xFFFFFFD0] =	vst v11;
	v2 =	vmul.f32 $3.333333430e-01, v2;
	v1 =	vadd.f32 v6, v1  }
0x92: {  	v6 =	vld [tilespmem:s26+$0xFFFFFFD0];
	[tilespmem:s29+$0xFFFFFFE0] =	vst v4;
	v3 =	vmul.f32 $3.333333430e-01, v3  }
0x93: {  	v4 =	vld [tilespmem:s31+$0xFFFFFFE0];
	v8 =	vadd.f32 v9, v12;
	[tilespmem:s29+$0xFFFFFFF0] =	vst v0;
	v0 =	vmul.f32 $3.333333430e-01, v1  }
0x94: {  	v1 =	vld [tilespmem:s26+$0xFFFFFFE0];
	[tilespmem:s29+$0x0] =	vst v2  }
0x95: {  	v2 =	vld [tilespmem:s31+$0xFFFFFFF0];
	v7 =	vadd.f32 v7, v8;
	[tilespmem:s29+$0x10] =	vst v3  }
0x96: {  	v3 =	vld [tilespmem:s26+$0xFFFFFFF0];
	[tilespmem:s29+$0x20] =	vst v0  }
0x97: {  	v6 =	vadd.f32 v6, v5;
	v5 =	vld [tilespmem:s31+$0x0];
	v0 =	vmul.f32 $3.333333430e-01, v7  }
0x98: {  	s29 =	sadd.s32 $0x80, s29;
	v7 =	vld [tilespmem:s26+$0x0]  }
0x99: {  	v4 =	vadd.f32 v1, v4;
	v1 =	vld [tilespmem:s31+$0x10];
	[tilespmem:s29+$0x30] =	vst v0  }
0x9a: {  	v8 =	vld [tilespmem:s26+$0x10]  }
0x9b: {  	v0 =	vadd.f32 v3, v2;
	v10 =	vld [tilespmem:s31+$0x20]  }
0x9c: {  	v11 =	vld [tilespmem:s26+$0x20]  }
0x9d: {  	v12 =	vld [tilespmem:s31+$0xFFFFFFC0];
	v2 =	vadd.f32 v7, v5  }
0x9e: {  	v14 =	vld [tilespmem:s28+$0xFFFFFFC0]  }
0x9f: {  	v15 =	vld [tilespmem:s28+$0xFFFFFFD0];
	v3 =	vadd.f32 v8, v1  }
.Ltmp1:
0xa0: {  	v9 =	vld [tilespmem:s28+$0xFFFFFFE0];
	(pc) =	sbr.rel @p1 .LBB2_5-.Ltmp1, $4  }
0xa1: {  	v7 =	vld [tilespmem:s28+$0xFFFFFFF0];
	v1 =	vadd.f32 v11, v10  }
0xa2: {  	v10 =	vadd.f32 v13, v12;
	v8 =	vld [tilespmem:s28+$0x0]  }
0xa3: {  	v5 =	vld [tilespmem:s28+$0x10]  }
0xa4: {  	s31 =	sadd.s32 $0x80, s31;
	v10 =	vadd.f32 v14, v10;
	v11 =	vadd.f32 v15, v6;
	v6 =	vld [tilespmem:s28+$0x20]  }
0xa5: {  	_ = 	snop  }
0xa6: {  	v4 =	vadd.f32 v9, v4;
	v61 =	vmul.f32 $3.333333430e-01, v10  }
0xa7: {  	v62 =	vmul.f32 $3.333333430e-01, v11;
	v0 =	vadd.f32 v7, v0  }
0xa8: {  	v4 =	vmul.f32 $3.333333430e-01, v4;
	v2 =	vadd.f32 v8, v2;
	[tilespmem:s29+$0xFFFFFFC0] =	vst v61  }
0xa9: {  	v0 =	vmul.f32 $3.333333430e-01, v0;
	v3 =	vadd.f32 v5, v3;
	[tilespmem:s29+$0xFFFFFFD0] =	vst v62  }
0xaa: {  	v2 =	vmul.f32 $3.333333430e-01, v2;
	v1 =	vadd.f32 v6, v1;
	[tilespmem:s29+$0xFFFFFFE0] =	vst v4  }
0xab: {  	v3 =	vmul.f32 $3.333333430e-01, v3;
	[tilespmem:s29+$0xFFFFFFF0] =	vst v0  }
.Ltmp2:
0xac: {  	v63 =	vmul.f32 $3.333333430e-01, v1;
	[tilespmem:s29+$0x0] =	vst v2;
	(pc) =	sbr.rel @p0 .LBB2_2-.Ltmp2, $4  }
0xad: {  	[tilespmem:s29+$0x10] =	vst v3  }
0xae: {  	s25 =	sadd.s32 $0x500, s25;
	[tilespmem:s29+$0x20] =	vst v63  }
0xaf: {  	[hbm4b:s25+s4] =	stream.linear.scatter [tilespmem:s21], [sflag:$0x4], $0x2800, $0x38;
	[tilespmem:$0x14000] =	vst v63  }
0xb0: {  	p2 =	por $0x0, $0x0;
	p1 =	por $0x1, $0x1;
	s25 =	simm.s32 $0x5000  }
0xb1: {  	s24 =	sadd.s32 $0x1, s24  }
0xb2: {  	_ =	swait.ge [sflag:s22], $0x2800;
	p0 =	sne.s32 s24, s12  }
.Ltmp3:
0xb3: {  	[sflag:s22] =	ssyncset.done $0x0;
	(pc) =	sbr.rel @p0 .LBB2_1-.Ltmp3, $4  }
0xb4: {  	[sflag:s22] =	ssyncadd.s32 $0xFFFFD800  }
0xb5: {  	_ =	swait.ge [sflag:s23], $0x2800  }
0xb6: {  	[sflag:s23] =	ssyncset.done $0x0  }
0xb7: {  	[sflag:s23] =	ssyncadd.s32 $0xFFFFD800  }
0xb8: {  	_ =	sfence.sel $0x180000  }
0xb9: {  	[bflag:$0x0] =	sbarrier.arrive $0xFFFF  }
0xba: {  	p0 =	sne.s32 s0, $0x0;
	_ =	strace $0x90000047  }
0xbb: {  	s0 =	sadd.s32 @!p0 $0x100000, s1;
	[bflag:$0x2] =	sbarrier.arrive $0xFFFF  }
0xbc: {  	[sflag:s0] =	ssyncadd.tile.s32 @!p0 $0x1;
	_ =	shalt  }
.Lfunc_end2:
_tile_overlayer_lowered:
.L_overlay_start_2:
0xbd: {  	(tag) =	ssettag $0x2  }
0xbe: {  	s0 =	rddreg [dreg:$0x0];
	s2 =	stileid.u32  }
0xbf: {  	s1 =	rddreg [dreg:$0x1];
	p0 =	sne.s32 s2, $0x0  }
0xc0: {  	s3 =	rddreg [dreg:$0x2];
	[bflag:$0x3] =	sbarrier.arrive $0xFFFF;
	s2 =	simm.s32 @!p0 $0x1C05  }
0xc1: {  	[timem:s3], [sflag:s2] =	dma.local @!p0 [hbm:s0], s1  }
0xc2: {  	s0 =	simm.s32 @!p0 $0x5  }
0xc3: {  	_ =	swait.ge @!p0 [sflag:s0], s1  }
0xc4: {  	s1 =	ssub.s32 @!p0 $0x0, s1;
	[sflag:s0] =	ssyncset.done @!p0 $0x0  }
0xc5: {  	[sflag:s0] =	ssyncadd.s32 @!p0 s1  }
0xc6: {  	[bflag:$0x3] =	sbarrier.arrive $0xFFFF  }
0xc7: {  	_ =	shalt  }

</sc_bundles>
